<compile_context>
chip_gen: v7x
topology: tpu7x:2x2x1
jax: 0.10.2.dev20260603
libtpu: 0.0.44.dev20260713+nightly
codegen_flags: <defaults>
</compile_context>

<pallas_src>
import functools

import jax
import jax.numpy as jnp
from jax import lax
from jax.experimental import pallas as pl
from jax.experimental.pallas import tpu as pltpu, tpu_sc as plsc

_N_SLOTS = 64
_EMBED_DIM = 256
_N_CODES = 8192
_BETA = 0.25
_BATCH = 8
_N_WORKERS = 8
_ROWS_PER_WORKER = _N_SLOTS // _N_WORKERS


def _distance_argmin_kernel(slots_ref, W_enc_ref, b_enc_ref, W_prev_ref,
                            b_prev_ref, cb_ref, s_ref, idx_ref):
    f32 = jnp.float32
    h = jnp.maximum(
        jnp.dot(slots_ref[...], W_enc_ref[...], preferred_element_type=f32)
        + b_enc_ref[...], 0.0)
    s = (jnp.dot(h, W_prev_ref[...], preferred_element_type=f32)
         + b_prev_ref[...])
    cb = cb_ref[...]
    a = jnp.sum(s * s, axis=1, keepdims=True)
    m = jax.lax.dot_general(s, cb, (((1,), (1,)), ((), ())),
                            preferred_element_type=f32)
    cn = jnp.sum(cb * cb, axis=1)
    d = (a - 2.0 * m) + cn[None, :]
    dmin = jnp.min(d, axis=1, keepdims=True)
    col = jax.lax.broadcasted_iota(jnp.int32, d.shape, 1)
    big = jnp.int32(jnp.iinfo(jnp.int32).max)
    idx = jnp.min(jnp.where(d == dmin, col, big), axis=1)
    s_ref[...] = s
    idx_ref[...] = jnp.reshape(idx, (1, _N_SLOTS))


def _decode_kernel(s_ref, zq_ref, W_post_ref, b_post_ref, W_dec_ref,
                   b_dec_ref, rec_ref, loss_ref):
    f32 = jnp.float32
    s = s_ref[...]
    zq = zq_ref[...]
    diff = zq - s
    loss = (1.0 + _BETA) * jnp.sum(diff * diff) / (_N_SLOTS * _EMBED_DIM)
    loss_ref[...] = jnp.reshape(loss, (1, 1))
    dec_in = (jnp.dot(zq, W_post_ref[...], preferred_element_type=f32)
              + b_post_ref[...])
    rec = (jnp.dot(dec_in, W_dec_ref[...], preferred_element_type=f32)
           + b_dec_ref[...])
    rec = jnp.clip(rec, -1.0, 1.0)
    for b in range(_BATCH):
        rec_ref[b] = rec


def _sc_gather(idx_hbm, table_hbm, out_hbm, idx_v, rows_v, sem):
    wid = lax.axis_index("s") * 2 + lax.axis_index("c")

    @pl.when(wid < _N_WORKERS)
    def _():
        base = wid * _ROWS_PER_WORKER
        pltpu.sync_copy(idx_hbm.at[0, pl.ds(base, _ROWS_PER_WORKER)], idx_v)
        pltpu.async_copy(table_hbm.at[idx_v], rows_v, sem).wait()
        pltpu.sync_copy(rows_v, out_hbm.at[pl.ds(base, _ROWS_PER_WORKER), :])


_sc_gather_call = functools.partial(
    pl.kernel,
    out_type=jax.ShapeDtypeStruct((_N_SLOTS, _EMBED_DIM), jnp.float32),
    mesh=plsc.VectorSubcoreMesh(core_axis_name="c", subcore_axis_name="s"),
    scratch_types=[
        pltpu.VMEM((_ROWS_PER_WORKER,), jnp.int32),
        pltpu.VMEM((_ROWS_PER_WORKER, _EMBED_DIM), jnp.float32),
        pltpu.SemaphoreType.DMA,
    ],
)(_sc_gather)


def kernel(img, targets, slots, W_enc, b_enc, W_prev, b_prev, codebook,
           W_post, b_post, W_dec, b_dec):
    bs = img.shape[0]
    enc_dim = W_dec.shape[1]
    f32 = jnp.float32
    s, idx = pl.pallas_call(
        _distance_argmin_kernel,
        out_shape=[
            jax.ShapeDtypeStruct((_N_SLOTS, _EMBED_DIM), f32),
            jax.ShapeDtypeStruct((1, _N_SLOTS), jnp.int32),
        ],
    )(slots, W_enc, b_enc.reshape(1, -1), W_prev, b_prev.reshape(1, -1),
      codebook)
    zq = _sc_gather_call(idx, codebook)
    rec, loss = pl.pallas_call(
        _decode_kernel,
        out_shape=[
            jax.ShapeDtypeStruct((bs, _N_SLOTS, enc_dim), f32),
            jax.ShapeDtypeStruct((1, 1), f32),
        ],
    )(s, zq, W_post, b_post.reshape(1, -1), W_dec, b_dec.reshape(1, -1))
    q_indices = jnp.broadcast_to(idx, (bs, _N_SLOTS))
    return rec, jnp.reshape(loss, ()), q_indices

# --- scband reference (transcript-rebuilt; emitter-appended) ---
"""Pipeline reference for scband-vqmodel-18863496364360 (READ-ONLY COPY).

The authoritative reference and input builder live on the scoring server;
editing this copy changes nothing except your own understanding.
"""

import jax, jax.numpy as jnp
import numpy as np

N_SLOTS = 64
SLOT_DIM = 512
ENC_DIM = 512
DEC_DIM = 512
EMBED_DIM = 256
N_CODES = 8192  # 2 * n_embed
BETA = 0.25
BATCH = 8
TOKENS = 256


def setup_inputs(seed: int = 0) -> dict:
    key = jax.random.key(seed)
    ks = jax.random.split(key, 12)
    img = jax.random.normal(ks[0], (BATCH, TOKENS, ENC_DIM), dtype=jnp.float32)
    targets = jax.random.normal(ks[1], (BATCH, TOKENS, ENC_DIM), dtype=jnp.float32)
    slots = jax.random.normal(ks[2], (N_SLOTS, SLOT_DIM), dtype=jnp.float32) * 0.02
    # encoder: simple cross-attn-free mixer -- linear on concat tokens (stand-in for configurable encoder)
    W_enc = jax.random.normal(ks[3], (ENC_DIM, ENC_DIM), dtype=jnp.float32) * (1.0 / np.sqrt(ENC_DIM))
    b_enc = jnp.zeros((ENC_DIM,), dtype=jnp.float32)
    # prev_quant: Linear(encoder dim -> embed_dim)
    W_prev = jax.random.normal(ks[4], (ENC_DIM, EMBED_DIM), dtype=jnp.float32) * (1.0 / np.sqrt(ENC_DIM))
    b_prev = jnp.zeros((EMBED_DIM,), dtype=jnp.float32)
    # codebook for VectorQuantizer(2*n_embed, embed_dim)
    codebook = jax.random.uniform(ks[5], (N_CODES, EMBED_DIM), dtype=jnp.float32, minval=-1.0 / N_CODES, maxval=1.0 / N_CODES)
    # post_quant: Linear(embed_dim -> decoder dim)
    W_post = jax.random.normal(ks[6], (EMBED_DIM, DEC_DIM), dtype=jnp.float32) * (1.0 / np.sqrt(EMBED_DIM))
    b_post = jnp.zeros((DEC_DIM,), dtype=jnp.float32)
    # decoder: linear stand-in
    W_dec = jax.random.normal(ks[7], (DEC_DIM, ENC_DIM), dtype=jnp.float32) * (1.0 / np.sqrt(DEC_DIM))
    b_dec = jnp.zeros((ENC_DIM,), dtype=jnp.float32)
    return {
        "img": img,
        "targets": targets,
        "slots": slots,
        "W_enc": W_enc, "b_enc": b_enc,
        "W_prev": W_prev, "b_prev": b_prev,
        "codebook": codebook,
        "W_post": W_post, "b_post": b_post,
        "W_dec": W_dec, "b_dec": b_dec,
    }


def _vq(z, codebook, beta):
    # z: [B, S, D], codebook: [K, D]
    B, S, D = z.shape
    zf = z.reshape(-1, D)
    d = (jnp.sum(zf ** 2, axis=1, keepdims=True)
         - 2.0 * zf @ codebook.T
         + jnp.sum(codebook ** 2, axis=1)[None, :])
    idx = jnp.argmin(d, axis=1)
    z_q = jnp.take(codebook, idx, axis=0).reshape(B, S, D)
    loss = jnp.mean((jax.lax.stop_gradient(z_q) - z) ** 2) + beta * jnp.mean((z_q - jax.lax.stop_gradient(z)) ** 2)
    # straight-through
    z_q_st = z + jax.lax.stop_gradient(z_q - z)
    return z_q_st, loss, idx.reshape(B, S)


def reference(img, targets, slots, W_enc, b_enc, W_prev, b_prev, codebook, W_post, b_post, W_dec, b_dec):
    bs = img.shape[0]
    slots_b = jnp.broadcast_to(slots[None, :, :], (bs, N_SLOTS, SLOT_DIM))
    # encoder (attn_type == 'normal'): process concat(img tokens, slots), take last n_slots
    x = jnp.concatenate([img, slots_b], axis=1)
    x = jax.nn.relu(x @ W_enc + b_enc)
    slots_out = x[:, -N_SLOTS:]
    # prev_quant
    s = slots_out @ W_prev + b_prev
    # quantize
    queries, q_loss, q_indices = _vq(s, codebook, BETA)
    # post_quant
    dec_in = queries @ W_post + b_post
    # decode + clamp
    rec = jnp.clip(dec_in @ W_dec + b_dec, -1.0, 1.0)
    return rec, q_loss, q_indices

if __name__ == "__main__":
    import jax
    _d = setup_inputs()
    print(jax.jit(kernel)(*tuple(_d.values())))

</pallas_src>

<mosaic_0001>
#map = affine_map<(d0, d1) -> (0, 0)>
module attributes {stable_mosaic.version = 14 : i64} {
  func.func @_sc_gather(%arg0: i32, %arg1: i32, %arg2: memref<1x64xi32, #tpu.memory_space<hbm>>, %arg3: memref<8192x256xf32, #tpu.memory_space<hbm>>, %arg4: memref<64x256xf32, #tpu.memory_space<hbm>>, %arg5: memref<8xi32, #tpu.memory_space<vmem>>, %arg6: memref<8x256xf32, #tpu.memory_space<vmem>>, %arg7: memref<!tpu.dma_semaphore, #tpu.memory_space<semaphore_mem>>) attributes {dimension_semantics = [#tpu.dimension_semantics<core_parallel>, #tpu.dimension_semantics<subcore_parallel>], iteration_bounds = array<i64: 2, 16>, scalar_prefetch = 0 : i64, scratch_operands = 3 : i64, tpu.core_type = #tpu.core_type<sc_vector_subcore>, window_params = [{transform_indices = #map}, {transform_indices = #map}, {transform_indices = #map}]} {
    %mul3A = arith.constant 2 : i32
    %mul3A_0 = arith.muli %arg1, %mul3A : i32
    %add3A = arith.addi %mul3A_0, %arg0 : i32
    %lt3A = arith.constant 8 : i32
    %lt3A_1 = arith.cmpi slt, %add3A, %lt3A : i32
    %convert_element_type3A = arith.extui %lt3A_1 : i1 to i32
    %cond3A = arith.constant 0 : i32
    %cond3A_2 = arith.cmpi ne, %convert_element_type3A, %cond3A : i32
    scf.if %cond3A_2 {
      %mul3A_3 = arith.constant 8 : i32
      %mul3A_4 = arith.muli %add3A, %mul3A_3 : i32
      %run_scoped3A = arith.constant 0 : i32
      "tpu.region"() ({
        %run_scoped3A_9 = tpu.sem_alloc : memref<!tpu.dma_semaphore, #tpu.memory_space<semaphore_mem>>
        %dma_start3A_10 = tpu.memref_slice %arg2[%run_scoped3A, %mul3A_4] : memref<1x64xi32, #tpu.memory_space<hbm>> -> memref<1x8xi32, #tpu.memory_space<hbm>>
        %dma_start3A_11 = tpu.memref_squeeze %dma_start3A_10 : memref<1x8xi32, #tpu.memory_space<hbm>> -> memref<8xi32, #tpu.memory_space<hbm>>
        %dma_start3A_12 = tpu.memref_slice %arg2[%run_scoped3A, %mul3A_4] : memref<1x64xi32, #tpu.memory_space<hbm>> -> memref<1x8xi32, #tpu.memory_space<hbm>>
        %dma_start3A_13 = tpu.memref_squeeze %dma_start3A_12 : memref<1x8xi32, #tpu.memory_space<hbm>> -> memref<8xi32, #tpu.memory_space<hbm>>
        tpu.enqueue_dma source(%dma_start3A_13 : memref<8xi32, #tpu.memory_space<hbm>>) target(%arg5 : memref<8xi32, #tpu.memory_space<vmem>>) target_semaphore(%run_scoped3A_9 : memref<!tpu.dma_semaphore, #tpu.memory_space<semaphore_mem>>)
        %dma_wait3A_14 = tpu.memref_slice %arg2[%run_scoped3A, %mul3A_4] : memref<1x64xi32, #tpu.memory_space<hbm>> -> memref<1x8xi32, #tpu.memory_space<hbm>>
        %dma_wait3A_15 = tpu.memref_squeeze %dma_wait3A_14 : memref<1x8xi32, #tpu.memory_space<hbm>> -> memref<8xi32, #tpu.memory_space<hbm>>
        %dma_wait3A_16 = tpu.memref_slice %arg2[%run_scoped3A, %mul3A_4] : memref<1x64xi32, #tpu.memory_space<hbm>> -> memref<1x8xi32, #tpu.memory_space<hbm>>
        %dma_wait3A_17 = tpu.memref_squeeze %dma_wait3A_16 : memref<1x8xi32, #tpu.memory_space<hbm>> -> memref<8xi32, #tpu.memory_space<hbm>>
        tpu.wait_dma2 semaphore(%run_scoped3A_9 : memref<!tpu.dma_semaphore, #tpu.memory_space<semaphore_mem>>) src(%dma_wait3A_17 : memref<8xi32, #tpu.memory_space<hbm>>) dst(%arg5 : memref<8xi32, #tpu.memory_space<vmem>>)
        tpu.yield
      }) : () -> ()
      %dma_start3A = arith.constant 0 : i32
      %dma_start3A_5 = arith.constant 0 : i32
      %dma_start3A_6 = tpu.memref_slice %arg3[%dma_start3A, %dma_start3A_5] : memref<8192x256xf32, #tpu.memory_space<hbm>> -> memref<8192x256xf32, #tpu.memory_space<hbm>>
      tpu.enqueue_indirect_dma source(%dma_start3A_6 : memref<8192x256xf32, #tpu.memory_space<hbm>>) target(%arg6 : memref<8x256xf32, #tpu.memory_space<vmem>>) offsets(%arg5 : memref<8xi32, #tpu.memory_space<vmem>>) semaphore(%arg7 : memref<!tpu.dma_semaphore, #tpu.memory_space<semaphore_mem>>)
      %dma_wait3A = arith.constant 0 : i32
      %dma_wait3A_7 = arith.constant 0 : i32
      %dma_wait3A_8 = tpu.memref_slice %arg3[%dma_wait3A, %dma_wait3A_7] : memref<8192x256xf32, #tpu.memory_space<hbm>> -> memref<8192x256xf32, #tpu.memory_space<hbm>>
      tpu.wait_indirect_dma semaphore(%arg7 : memref<!tpu.dma_semaphore, #tpu.memory_space<semaphore_mem>>) src(%dma_wait3A_8 : memref<8192x256xf32, #tpu.memory_space<hbm>>) dst(%arg6 : memref<8x256xf32, #tpu.memory_space<vmem>>)
      "tpu.region"() ({
        %run_scoped3A_9 = tpu.sem_alloc : memref<!tpu.dma_semaphore, #tpu.memory_space<semaphore_mem>>
        %dma_start3A_10 = arith.constant 0 : i32
        %dma_start3A_11 = tpu.memref_slice %arg4[%mul3A_4, %dma_start3A_10] : memref<64x256xf32, #tpu.memory_space<hbm>> -> memref<8x256xf32, #tpu.memory_space<hbm>>
        %dma_start3A_12 = arith.constant 0 : i32
        %dma_start3A_13 = tpu.memref_slice %arg4[%mul3A_4, %dma_start3A_12] : memref<64x256xf32, #tpu.memory_space<hbm>> -> memref<8x256xf32, #tpu.memory_space<hbm>>
        tpu.enqueue_dma source(%arg6 : memref<8x256xf32, #tpu.memory_space<vmem>>) target(%dma_start3A_13 : memref<8x256xf32, #tpu.memory_space<hbm>>) target_semaphore(%run_scoped3A_9 : memref<!tpu.dma_semaphore, #tpu.memory_space<semaphore_mem>>)
        %dma_wait3A_14 = arith.constant 0 : i32
        %dma_wait3A_15 = tpu.memref_slice %arg4[%mul3A_4, %dma_wait3A_14] : memref<64x256xf32, #tpu.memory_space<hbm>> -> memref<8x256xf32, #tpu.memory_space<hbm>>
        %dma_wait3A_16 = arith.constant 0 : i32
        %dma_wait3A_17 = tpu.memref_slice %arg4[%mul3A_4, %dma_wait3A_16] : memref<64x256xf32, #tpu.memory_space<hbm>> -> memref<8x256xf32, #tpu.memory_space<hbm>>
        tpu.wait_dma2 semaphore(%run_scoped3A_9 : memref<!tpu.dma_semaphore, #tpu.memory_space<semaphore_mem>>) src(%arg6 : memref<8x256xf32, #tpu.memory_space<vmem>>) dst(%dma_wait3A_17 : memref<8x256xf32, #tpu.memory_space<hbm>>)
        tpu.yield
      }) : () -> ()
    } else {
    }
    return
  }
}

module attributes {stable_mosaic.version = 14 : i64} {
  func.func @_distance_argmin_kernel(%arg0: memref<64x512xf32, #tpu.memory_space<vmem>>, %arg1: memref<512x512xf32, #tpu.memory_space<vmem>>, %arg2: memref<1x512xf32, #tpu.memory_space<vmem>>, %arg3: memref<512x256xf32, #tpu.memory_space<vmem>>, %arg4: memref<1x256xf32, #tpu.memory_space<vmem>>, %arg5: memref<8192x256xf32, #tpu.memory_space<vmem>>, %arg6: memref<64x256xf32, #tpu.memory_space<vmem>>, %arg7: memref<1x64xi32, #tpu.memory_space<vmem>>) attributes {dimension_semantics = [], scalar_prefetch = 0 : i64, scratch_operands = 0 : i64, tpu.core_type = #tpu.core_type<tc>} {
    %get3A = arith.constant 0 : index
    %get3A_0 = arith.constant 0 : index
    %get3A_1 = vector.load %arg0[%get3A, %get3A_0] : memref<64x512xf32, #tpu.memory_space<vmem>>, vector<64x512xf32>
    %get3A_2 = arith.constant 0 : index
    %get3A_3 = arith.constant 0 : index
    %get3A_4 = vector.load %arg1[%get3A_2, %get3A_3] : memref<512x512xf32, #tpu.memory_space<vmem>>, vector<512x512xf32>
    %dot_general3A = arith.constant dense<0.000000e+00> : vector<64x512xf32>
    %dot_general3A_5 = tpu.matmul %get3A_1, %get3A_4, %dot_general3A {dimension_numbers = #tpu.dot_dimension_numbers<[1], [0], [0], [1], [0, 0, 1, 1], [], []>, transpose_lhs_hint = false} : vector<64x512xf32>, vector<512x512xf32>, vector<64x512xf32> -> vector<64x512xf32>
    %get3A_6 = arith.constant 0 : index
    %get3A_7 = arith.constant 0 : index
    %get3A_8 = vector.load %arg2[%get3A_6, %get3A_7] : memref<1x512xf32, #tpu.memory_space<vmem>>, vector<1x512xf32>
    %add3A = vector.broadcast %get3A_8 : vector<1x512xf32> to vector<64x512xf32>
    %add3A_9 = arith.addf %dot_general3A_5, %add3A : vector<64x512xf32>
    %max3A = arith.constant 0.000000e+00 : f32
    %max3A_10 = vector.broadcast %max3A : f32 to vector<64x512xf32>
    %max3A_11 = arith.maximumf %add3A_9, %max3A_10 : vector<64x512xf32>
    %get3A_12 = arith.constant 0 : index
    %get3A_13 = arith.constant 0 : index
    %get3A_14 = vector.load %arg3[%get3A_12, %get3A_13] : memref<512x256xf32, #tpu.memory_space<vmem>>, vector<512x256xf32>
    %dot_general3A_15 = arith.constant dense<0.000000e+00> : vector<64x256xf32>
    %dot_general3A_16 = tpu.matmul %max3A_11, %get3A_14, %dot_general3A_15 {dimension_numbers = #tpu.dot_dimension_numbers<[1], [0], [0], [1], [0, 0, 1, 1], [], []>, transpose_lhs_hint = false} : vector<64x512xf32>, vector<512x256xf32>, vector<64x256xf32> -> vector<64x256xf32>
    %get3A_17 = arith.constant 0 : index
    %get3A_18 = arith.constant 0 : index
    %get3A_19 = vector.load %arg4[%get3A_17, %get3A_18] : memref<1x256xf32, #tpu.memory_space<vmem>>, vector<1x256xf32>
    %add3A_20 = vector.broadcast %get3A_19 : vector<1x256xf32> to vector<64x256xf32>
    %add3A_21 = arith.addf %dot_general3A_16, %add3A_20 : vector<64x256xf32>
    %get3A_22 = arith.constant 0 : index
    %get3A_23 = arith.constant 0 : index
    %get3A_24 = vector.load %arg5[%get3A_22, %get3A_23] : memref<8192x256xf32, #tpu.memory_space<vmem>>, vector<8192x256xf32>
    %mul3A = arith.mulf %add3A_21, %add3A_21 : vector<64x256xf32>
    %reduce_sum3A = arith.constant dense<0.000000e+00> : vector<64xf32>
    %reduce_sum3A_25 = vector.multi_reduction <add>, %mul3A, %reduce_sum3A [1] : vector<64x256xf32> to vector<64xf32>
    %broadcast_in_dim3A = vector.shape_cast %reduce_sum3A_25 : vector<64xf32> to vector<64x1xf32>
    %dot_general3A_26 = arith.constant dense<0.000000e+00> : vector<64x8192xf32>
    %dot_general3A_27 = tpu.matmul %add3A_21, %get3A_24, %dot_general3A_26 {dimension_numbers = #tpu.dot_dimension_numbers<[1], [1], [0], [0], [0, 0, 1, 0], [], []>, transpose_lhs_hint = false} : vector<64x256xf32>, vector<8192x256xf32>, vector<64x8192xf32> -> vector<64x8192xf32>
    %mul3A_28 = arith.mulf %get3A_24, %get3A_24 : vector<8192x256xf32>
    %reduce_sum3A_29 = arith.constant dense<0.000000e+00> : vector<8192xf32>
    %reduce_sum3A_30 = vector.multi_reduction <add>, %mul3A_28, %reduce_sum3A_29 [1] : vector<8192x256xf32> to vector<8192xf32>
    %mul3A_31 = arith.constant 2.000000e+00 : f32
    %mul3A_32 = vector.broadcast %mul3A_31 : f32 to vector<64x8192xf32>
    %mul3A_33 = arith.mulf %mul3A_32, %dot_general3A_27 : vector<64x8192xf32>
    %sub3A = vector.broadcast %broadcast_in_dim3A : vector<64x1xf32> to vector<64x8192xf32>
    %sub3A_34 = arith.subf %sub3A, %mul3A_33 : vector<64x8192xf32>
    %broadcast_in_dim3A_35 = vector.shape_cast %reduce_sum3A_30 : vector<8192xf32> to vector<1x8192xf32>
    %add3A_36 = vector.broadcast %broadcast_in_dim3A_35 : vector<1x8192xf32> to vector<64x8192xf32>
    %add3A_37 = arith.addf %sub3A_34, %add3A_36 : vector<64x8192xf32>
    %reduce_min3A = arith.constant dense<0x7F800000> : vector<64xf32>
    %reduce_min3A_38 = vector.multi_reduction <minimumf>, %add3A_37, %reduce_min3A [1] : vector<64x8192xf32> to vector<64xf32>
    %broadcast_in_dim3A_39 = vector.shape_cast %reduce_min3A_38 : vector<64xf32> to vector<64x1xf32>
    %iota3A = tpu.iota {dimensions = array<i32: 1>} : vector<64x8192xi32>
    %eq3A = vector.broadcast %broadcast_in_dim3A_39 : vector<64x1xf32> to vector<64x8192xf32>
    %eq3A_40 = arith.cmpf oeq, %add3A_37, %eq3A : vector<64x8192xf32>
    %jit3A = arith.constant 2147483647 : i32
    %broadcast_in_dim3A_41 = vector.broadcast %jit3A : i32 to vector<64x8192xi32>
    %select_n3A = arith.select %eq3A_40, %iota3A, %broadcast_in_dim3A_41 : vector<64x8192xi1>, vector<64x8192xi32>
    %reduce_min3A_42 = arith.constant dense<2147483647> : vector<64xi32>
    %reduce_min3A_43 = vector.multi_reduction <minsi>, %select_n3A, %reduce_min3A_42 [1] : vector<64x8192xi32> to vector<64xi32>
    %swap3A = arith.constant 0 : index
    %swap3A_44 = arith.constant 0 : index
    %swap3A_45 = vector.load %arg6[%swap3A, %swap3A_44] : memref<64x256xf32, #tpu.memory_space<vmem>>, vector<64x256xf32>
    tpu.vector_store %arg6[%swap3A, %swap3A_44], %add3A_21 {strides = array<i32>} : memref<64x256xf32, #tpu.memory_space<vmem>>, vector<64x256xf32>,
    %reshape3A = vector.shape_cast %reduce_min3A_43 : vector<64xi32> to vector<1x64xi32>
    %swap3A_46 = arith.constant 0 : index
    %swap3A_47 = arith.constant 0 : index
    %swap3A_48 = vector.load %arg7[%swap3A_46, %swap3A_47] : memref<1x64xi32, #tpu.memory_space<vmem>>, vector<1x64xi32>
    tpu.vector_store %arg7[%swap3A_46, %swap3A_47], %reshape3A {strides = array<i32>} : memref<1x64xi32, #tpu.memory_space<vmem>>, vector<1x64xi32>,
    return
  }
}

module attributes {stable_mosaic.version = 14 : i64} {
  func.func @_decode_kernel(%arg0: memref<64x256xf32, #tpu.memory_space<vmem>>, %arg1: memref<64x256xf32, #tpu.memory_space<vmem>>, %arg2: memref<256x512xf32, #tpu.memory_space<vmem>>, %arg3: memref<1x512xf32, #tpu.memory_space<vmem>>, %arg4: memref<512x512xf32, #tpu.memory_space<vmem>>, %arg5: memref<1x512xf32, #tpu.memory_space<vmem>>, %arg6: memref<8x64x512xf32, #tpu.memory_space<vmem>>, %arg7: memref<1x1xf32, #tpu.memory_space<vmem>>) attributes {dimension_semantics = [], scalar_prefetch = 0 : i64, scratch_operands = 0 : i64, tpu.core_type = #tpu.core_type<tc>} {
    %get3A = arith.constant 0 : index
    %get3A_0 = arith.constant 0 : index
    %get3A_1 = vector.load %arg0[%get3A, %get3A_0] : memref<64x256xf32, #tpu.memory_space<vmem>>, vector<64x256xf32>
    %get3A_2 = arith.constant 0 : index
    %get3A_3 = arith.constant 0 : index
    %get3A_4 = vector.load %arg1[%get3A_2, %get3A_3] : memref<64x256xf32, #tpu.memory_space<vmem>>, vector<64x256xf32>
    %sub3A = arith.subf %get3A_4, %get3A_1 : vector<64x256xf32>
    %mul3A = arith.mulf %sub3A, %sub3A : vector<64x256xf32>
    %reduce_sum3A = vector.shape_cast %mul3A : vector<64x256xf32> to vector<1x64x256xf32>
    %reduce_sum3A_5 = arith.constant dense<0.000000e+00> : vector<1xf32>
    %reduce_sum3A_6 = vector.multi_reduction <add>, %reduce_sum3A, %reduce_sum3A_5 [1, 2] : vector<1x64x256xf32> to vector<1xf32>
    %reduce_sum3A_7 = vector.shape_cast %reduce_sum3A_6 : vector<1xf32> to vector<1x1x1xf32>
    %reduce_sum3A_8 = vector.extract %reduce_sum3A_7[0, 0, 0] : f32 from vector<1x1x1xf32>
    %mul3A_9 = arith.constant 1.250000e+00 : f32
    %mul3A_10 = arith.mulf %mul3A_9, %reduce_sum3A_8 : f32
    %div3A = arith.constant 1.638400e+04 : f32
    %div3A_11 = arith.divf %mul3A_10, %div3A : f32
    %reshape3A = vector.broadcast %div3A_11 : f32 to vector<1x1xf32>
    %swap3A = arith.constant 0 : index
    %swap3A_12 = arith.constant 0 : index
    %swap3A_13 = vector.load %arg7[%swap3A, %swap3A_12] : memref<1x1xf32, #tpu.memory_space<vmem>>, vector<1x1xf32>
    tpu.vector_store %arg7[%swap3A, %swap3A_12], %reshape3A {strides = array<i32>} : memref<1x1xf32, #tpu.memory_space<vmem>>, vector<1x1xf32>,
    %get3A_14 = arith.constant 0 : index
    %get3A_15 = arith.constant 0 : index
    %get3A_16 = vector.load %arg2[%get3A_14, %get3A_15] : memref<256x512xf32, #tpu.memory_space<vmem>>, vector<256x512xf32>
    %dot_general3A = arith.constant dense<0.000000e+00> : vector<64x512xf32>
    %dot_general3A_17 = tpu.matmul %get3A_4, %get3A_16, %dot_general3A {dimension_numbers = #tpu.dot_dimension_numbers<[1], [0], [0], [1], [0, 0, 1, 1], [], []>, transpose_lhs_hint = false} : vector<64x256xf32>, vector<256x512xf32>, vector<64x512xf32> -> vector<64x512xf32>
    %get3A_18 = arith.constant 0 : index
    %get3A_19 = arith.constant 0 : index
    %get3A_20 = vector.load %arg3[%get3A_18, %get3A_19] : memref<1x512xf32, #tpu.memory_space<vmem>>, vector<1x512xf32>
    %add3A = vector.broadcast %get3A_20 : vector<1x512xf32> to vector<64x512xf32>
    %add3A_21 = arith.addf %dot_general3A_17, %add3A : vector<64x512xf32>
    %get3A_22 = arith.constant 0 : index
    %get3A_23 = arith.constant 0 : index
    %get3A_24 = vector.load %arg4[%get3A_22, %get3A_23] : memref<512x512xf32, #tpu.memory_space<vmem>>, vector<512x512xf32>
    %dot_general3A_25 = arith.constant dense<0.000000e+00> : vector<64x512xf32>
    %dot_general3A_26 = tpu.matmul %add3A_21, %get3A_24, %dot_general3A_25 {dimension_numbers = #tpu.dot_dimension_numbers<[1], [0], [0], [1], [0, 0, 1, 1], [], []>, transpose_lhs_hint = false} : vector<64x512xf32>, vector<512x512xf32>, vector<64x512xf32> -> vector<64x512xf32>
    %get3A_27 = arith.constant 0 : index
    %get3A_28 = arith.constant 0 : index
    %get3A_29 = vector.load %arg5[%get3A_27, %get3A_28] : memref<1x512xf32, #tpu.memory_space<vmem>>, vector<1x512xf32>
    %add3A_30 = vector.broadcast %get3A_29 : vector<1x512xf32> to vector<64x512xf32>
    %add3A_31 = arith.addf %dot_general3A_26, %add3A_30 : vector<64x512xf32>
    %jit3A = arith.constant -1.000000e+00 : f32
    %jit3A_32 = arith.constant 1.000000e+00 : f32
    %max3A = vector.broadcast %jit3A : f32 to vector<64x512xf32>
    %max3A_33 = arith.maximumf %max3A, %add3A_31 : vector<64x512xf32>
    %min3A = vector.broadcast %jit3A_32 : f32 to vector<64x512xf32>
    %min3A_34 = arith.minimumf %min3A, %max3A_33 : vector<64x512xf32>
    %swap3A_35 = arith.constant 0 : index
    %swap3A_36 = arith.constant 0 : index
    %swap3A_37 = arith.constant 0 : index
    %swap3A_38 = vector.load %arg6[%swap3A_35, %swap3A_36, %swap3A_37] : memref<8x64x512xf32, #tpu.memory_space<vmem>>, vector<1x64x512xf32>
    %swap3A_39 = vector.shape_cast %swap3A_38 : vector<1x64x512xf32> to vector<64x512xf32>
    %swap3A_40 = vector.shape_cast %min3A_34 : vector<64x512xf32> to vector<1x64x512xf32>
    tpu.vector_store %arg6[%swap3A_35, %swap3A_36, %swap3A_37], %swap3A_40 {strides = array<i32>} : memref<8x64x512xf32, #tpu.memory_space<vmem>>, vector<1x64x512xf32>,
    %swap3A_41 = arith.constant 1 : index
    %swap3A_42 = arith.constant 0 : index
    %swap3A_43 = arith.constant 0 : index
    %swap3A_44 = vector.load %arg6[%swap3A_41, %swap3A_42, %swap3A_43] : memref<8x64x512xf32, #tpu.memory_space<vmem>>, vector<1x64x512xf32>
    %swap3A_45 = vector.shape_cast %swap3A_44 : vector<1x64x512xf32> to vector<64x512xf32>
    %swap3A_46 = vector.shape_cast %min3A_34 : vector<64x512xf32> to vector<1x64x512xf32>
    tpu.vector_store %arg6[%swap3A_41, %swap3A_42, %swap3A_43], %swap3A_46 {strides = array<i32>} : memref<8x64x512xf32, #tpu.memory_space<vmem>>, vector<1x64x512xf32>,
    %swap3A_47 = arith.constant 2 : index
    %swap3A_48 = arith.constant 0 : index
    %swap3A_49 = arith.constant 0 : index
    %swap3A_50 = vector.load %arg6[%swap3A_47, %swap3A_48, %swap3A_49] : memref<8x64x512xf32, #tpu.memory_space<vmem>>, vector<1x64x512xf32>
    %swap3A_51 = vector.shape_cast %swap3A_50 : vector<1x64x512xf32> to vector<64x512xf32>
    %swap3A_52 = vector.shape_cast %min3A_34 : vector<64x512xf32> to vector<1x64x512xf32>
    tpu.vector_store %arg6[%swap3A_47, %swap3A_48, %swap3A_49], %swap3A_52 {strides = array<i32>} : memref<8x64x512xf32, #tpu.memory_space<vmem>>, vector<1x64x512xf32>,
    %swap3A_53 = arith.constant 3 : index
    %swap3A_54 = arith.constant 0 : index
    %swap3A_55 = arith.constant 0 : index
    %swap3A_56 = vector.load %arg6[%swap3A_53, %swap3A_54, %swap3A_55] : memref<8x64x512xf32, #tpu.memory_space<vmem>>, vector<1x64x512xf32>
    %swap3A_57 = vector.shape_cast %swap3A_56 : vector<1x64x512xf32> to vector<64x512xf32>
    %swap3A_58 = vector.shape_cast %min3A_34 : vector<64x512xf32> to vector<1x64x512xf32>
    tpu.vector_store %arg6[%swap3A_53, %swap3A_54, %swap3A_55], %swap3A_58 {strides = array<i32>} : memref<8x64x512xf32, #tpu.memory_space<vmem>>, vector<1x64x512xf32>,
    %swap3A_59 = arith.constant 4 : index
    %swap3A_60 = arith.constant 0 : index
    %swap3A_61 = arith.constant 0 : index
    %swap3A_62 = vector.load %arg6[%swap3A_59, %swap3A_60, %swap3A_61] : memref<8x64x512xf32, #tpu.memory_space<vmem>>, vector<1x64x512xf32>
    %swap3A_63 = vector.shape_cast %swap3A_62 : vector<1x64x512xf32> to vector<64x512xf32>
    %swap3A_64 = vector.shape_cast %min3A_34 : vector<64x512xf32> to vector<1x64x512xf32>
    tpu.vector_store %arg6[%swap3A_59, %swap3A_60, %swap3A_61], %swap3A_64 {strides = array<i32>} : memref<8x64x512xf32, #tpu.memory_space<vmem>>, vector<1x64x512xf32>,
    %swap3A_65 = arith.constant 5 : index
    %swap3A_66 = arith.constant 0 : index
    %swap3A_67 = arith.constant 0 : index
    %swap3A_68 = vector.load %arg6[%swap3A_65, %swap3A_66, %swap3A_67] : memref<8x64x512xf32, #tpu.memory_space<vmem>>, vector<1x64x512xf32>
    %swap3A_69 = vector.shape_cast %swap3A_68 : vector<1x64x512xf32> to vector<64x512xf32>
    %swap3A_70 = vector.shape_cast %min3A_34 : vector<64x512xf32> to vector<1x64x512xf32>
    tpu.vector_store %arg6[%swap3A_65, %swap3A_66, %swap3A_67], %swap3A_70 {strides = array<i32>} : memref<8x64x512xf32, #tpu.memory_space<vmem>>, vector<1x64x512xf32>,
    %swap3A_71 = arith.constant 6 : index
    %swap3A_72 = arith.constant 0 : index
    %swap3A_73 = arith.constant 0 : index
    %swap3A_74 = vector.load %arg6[%swap3A_71, %swap3A_72, %swap3A_73] : memref<8x64x512xf32, #tpu.memory_space<vmem>>, vector<1x64x512xf32>
    %swap3A_75 = vector.shape_cast %swap3A_74 : vector<1x64x512xf32> to vector<64x512xf32>
    %swap3A_76 = vector.shape_cast %min3A_34 : vector<64x512xf32> to vector<1x64x512xf32>
    tpu.vector_store %arg6[%swap3A_71, %swap3A_72, %swap3A_73], %swap3A_76 {strides = array<i32>} : memref<8x64x512xf32, #tpu.memory_space<vmem>>, vector<1x64x512xf32>,
    %swap3A_77 = arith.constant 7 : index
    %swap3A_78 = arith.constant 0 : index
    %swap3A_79 = arith.constant 0 : index
    %swap3A_80 = vector.load %arg6[%swap3A_77, %swap3A_78, %swap3A_79] : memref<8x64x512xf32, #tpu.memory_space<vmem>>, vector<1x64x512xf32>
    %swap3A_81 = vector.shape_cast %swap3A_80 : vector<1x64x512xf32> to vector<64x512xf32>
    %swap3A_82 = vector.shape_cast %min3A_34 : vector<64x512xf32> to vector<1x64x512xf32>
    tpu.vector_store %arg6[%swap3A_77, %swap3A_78, %swap3A_79], %swap3A_82 {strides = array<i32>} : memref<8x64x512xf32, #tpu.memory_space<vmem>>, vector<1x64x512xf32>,
    return
  }
}

</mosaic_0001>

<sc_bundles>
// kernel: kernel.5.cloned.1.call-start
scs
__scs_entry_jumppad:
0x0: {  	(pc) =	sbr.rel $0x88, $3  }
0x1: {  	(tag) =	ssettag $0x0;
	lr =	simm.s32 $0x1  }
0x2: {  	[smem:$0x3F97] =	sst lr;
	_ =	strace $0xD0000000  }
0x3: {  	_ = 	snop  }
0x4: {  	_ = 	snop  }
0x5: {  	_ = 	snop  }
0x6: {  	_ = 	snop  }
0x7: {  	_ = 	snop  }
__scs_overlays_trampoline_lowered:
0x8: {  	[smem:$0x3FA6] =	sst s0  }
0x9: {  	[smem:$0x3FA7] =	sst s1  }
0xa: {  	[smem:$0x3FA8] =	sst s2  }
0xb: {  	[smem:$0x3FA9] =	sst s3  }
0xc: {  	[smem:$0x3FAA] =	sst s4  }
0xd: {  	[smem:$0x3FAB] =	sst s5  }
0xe: {  	[smem:$0x3FAC] =	sst s6  }
0xf: {  	[smem:$0x3FAD] =	sst s7  }
0x10: {  	[smem:$0x3FAE] =	sst s8  }
0x11: {  	[smem:$0x3FAF] =	sst s9;
	s0 =	simm.s32 @!p0 $0x0  }
0x12: {  	s1 =	sld [smem:$0x3F95];
	s0 =	simm.s32 @p0 $0x1  }
0x13: {  	[smem:$0x3FB0] =	sst s0;
	s0 =	simm.s32 @!p1 $0x0  }
0x14: {  	s2 =	sld [smem:$0x3F94];
	s0 =	simm.s32 @p1 $0x1  }
0x15: {  	[smem:$0x3FB1] =	sst s0;
	s0 =	simm.s32 @!p2 $0x0  }
0x16: {  	s3 =	sld [smem:$0x3FDB];
	s0 =	simm.s32 @p2 $0x1  }
0x17: {  	s4 =	simm.s32 $0x1BF5;
	[smem:$0x3FB3] =	sst s0  }
0x18: {  	s0 =	sld [smem:$0x3F96];
	_ =	swait.ge [sflag:s4], $0x0  }
0x19: {  	s7 =	sld [smem:$0x3F97]  }
0x1a: {  	s8 =	sadd.s32 $0xFFFFE003, lr  }
0x1b: {  	s9 =	sadd.s32 $0xFFFFFEF7, lr;
	s5 =	simm.s32 $0xFFFFFFFF;
	p2 =	slt.u32 s8, $0xFFFFF086  }
0x1c: {  	p1 =	slt.u32 s9, $0xF7A;
	s5 =	simm.s32 @!p2 $0x0  }
0x1d: {  	s5 =	simm.s32 @p1 $0x1;
	p0 =	seq.s32 s7, s2  }
0x1e: {  	s7 =	smul.u32 @!p0 $0xF7A, s2;
	p2 =	seq.s32 @!p0 s5, $0x0  }
0x1f: {  	s9 =	smul.u32 $0xF7A, s1;
	s8 =	simm.s32 @!p0 $0x1BF5;
	p2 =	por !p2, p0  }
0x20: {  	[sflag:s8] =	ssyncset.s32 @!p0 $0xFFFFF086;
	s6 =	sadd.s32 @!p0 s3, s7;
	s7 =	simm.s32 @!p0 $0x108  }
0x21: {  	s3 =	sadd.s32 s3, s9;
	s6 =	sadd.s32 @!p0 $0x88, s6;
	s7 =	simm.s32 @p2 $0x1082  }
0x22: {  	[simem:s7], [sflag:s8] =	dma.local @!p0 [hbm:s6], $0xF7A  }
0x23: {  	s9 =	sor.u32 $0xD0000000, s2;
	s6 =	simm.s32 $0x108;
	_ =	swait.ge @!p0 [sflag:s8], $0x0  }
0x24: {  	s3 =	sadd.s32 $0x88, s3;
	s6 =	simm.s32 @!p1 $0x1082;
	[sflag:s4] =	ssyncset.s32 $0xFFFFF086  }
0x25: {  	[simem:s6], [sflag:s4] =	dma.local [hbm:s3], $0xF7A  }
0x26: {  	[smem:$0x3F97] =	sst s1;
	(tag) =	ssettag s2;
	_ =	strace s9  }
0x27: {  	s1 =	sld [smem:$0x3FA7]  }
0x28: {  	s2 =	sld [smem:$0x3FA8]  }
0x29: {  	s4 =	sld [smem:$0x3FAA]  }
0x2a: {  	p0 =	seq.s32 s5, $0x0;
	s5 =	sld [smem:$0x3FAB]  }
0x2b: {  	s6 =	sld [smem:$0x3FAC]  }
0x2c: {  	s7 =	sld [smem:$0x3FAD]  }
0x2d: {  	s3 =	simm.s32 $0x108;
	s8 =	sld [smem:$0x3FAE]  }
0x2e: {  	s3 =	simm.s32 @!p0 $0x1082;
	s9 =	sld [smem:$0x3FAF]  }
0x2f: {  	lr =	sadd.s32 s0, s3;
	s0 =	sld [smem:$0x3FA6]  }
0x30: {  	s3 =	sld [smem:$0x3FA9]  }
0x31: {  	[smem:$0x3FB2] =	sst s10  }
0x32: {  	s10 =	sld [smem:$0x3FB0];
	_ =	sdelay $0x3  }
0x33: {  	p0 =	seq.s32 s10, $0x1;
	s10 =	sld [smem:$0x3FB2];
	_ =	sdelay $0x3  }
0x34: {  	[smem:$0x3FB2] =	sst s10  }
0x35: {  	s10 =	sld [smem:$0x3FB1];
	_ =	sdelay $0x3  }
0x36: {  	p1 =	seq.s32 s10, $0x1;
	s10 =	sld [smem:$0x3FB2];
	_ =	sdelay $0x3  }
0x37: {  	[smem:$0x3FB2] =	sst s10  }
0x38: {  	s10 =	sld [smem:$0x3FB3]  }
0x39: {  	_ = 	snop;
	(pc) =	sbr.ind lr, $3  }
0x3a: {  	_ = 	snop  }
0x3b: {  	_ = 	snop  }
0x3c: {  	p2 =	seq.s32 s10, $0x1;
	s10 =	sld [smem:$0x3FB2]  }
0x3d: {  	_ =	shalt  }
0x3e: {  	_ =	shalt  }
0x3f: {  	_ =	shalt  }
0x40: {  	_ =	shalt  }
0x41: {  	_ =	shalt  }
0x42: {  	_ =	shalt  }
0x43: {  	_ =	shalt  }
0x44: {  	_ =	shalt  }
0x45: {  	_ =	shalt  }
0x46: {  	_ =	shalt  }
0x47: {  	_ =	shalt  }
0x48: {  	_ =	shalt  }
0x49: {  	_ =	shalt  }
0x4a: {  	_ =	shalt  }
0x4b: {  	_ =	shalt  }
0x4c: {  	_ =	shalt  }
0x4d: {  	_ =	shalt  }
0x4e: {  	_ =	shalt  }
0x4f: {  	_ =	shalt  }
0x50: {  	_ =	shalt  }
0x51: {  	_ =	shalt  }
0x52: {  	_ =	shalt  }
0x53: {  	_ =	shalt  }
0x54: {  	_ =	shalt  }
0x55: {  	_ =	shalt  }
0x56: {  	_ =	shalt  }
0x57: {  	_ =	shalt  }
0x58: {  	_ =	shalt  }
0x59: {  	_ =	shalt  }
0x5a: {  	_ =	shalt  }
0x5b: {  	_ =	shalt  }
0x5c: {  	_ =	shalt  }
0x5d: {  	_ =	shalt  }
0x5e: {  	_ =	shalt  }
0x5f: {  	_ =	shalt  }
0x60: {  	_ =	shalt  }
0x61: {  	_ =	shalt  }
0x62: {  	_ =	shalt  }
0x63: {  	_ =	shalt  }
0x64: {  	_ =	shalt  }
0x65: {  	_ =	shalt  }
0x66: {  	_ =	shalt  }
0x67: {  	_ =	shalt  }
0x68: {  	_ =	shalt  }
0x69: {  	_ =	shalt  }
0x6a: {  	_ =	shalt  }
0x6b: {  	_ =	shalt  }
0x6c: {  	_ =	shalt  }
0x6d: {  	_ =	shalt  }
0x6e: {  	_ =	shalt  }
0x6f: {  	_ =	shalt  }
0x70: {  	_ =	shalt  }
0x71: {  	_ =	shalt  }
0x72: {  	_ =	shalt  }
0x73: {  	_ =	shalt  }
0x74: {  	_ =	shalt  }
0x75: {  	_ =	shalt  }
0x76: {  	_ =	shalt  }
0x77: {  	_ =	shalt  }
0x78: {  	_ =	shalt  }
0x79: {  	_ =	shalt  }
0x7a: {  	_ =	shalt  }
0x7b: {  	_ =	shalt  }
0x7c: {  	_ =	shalt  }
0x7d: {  	_ =	shalt  }
0x7e: {  	_ =	shalt  }
0x7f: {  	_ =	shalt  }
0x80: {  	_ =	shalt  }
0x81: {  	_ =	shalt  }
0x82: {  	_ =	shalt  }
0x83: {  	_ =	shalt  }
0x84: {  	_ =	shalt  }
0x85: {  	_ =	shalt  }
0x86: {  	_ =	shalt  }
0x87: {  	_ =	shalt  }
.Lfunc_end0:
.L_simem_size_0:
called_computation_lowered:
.L_overlay_start_0:
0x88: {  	s2 =	sld [smem:$0x3FD9]  }
0x89: {  	s3 =	sld [smem:$0x3FFE];
	_ =	sdelay $0x1  }
0x8a: {  	s1 =	srdreg.scid  }
0x8b: {  	s0 =	sand.u32 $0x1, s1  }
0x8c: {  	s15 =	sshll.u32 s0, $0xA;
	s2 =	sadd.s32 s3, s2  }
0x8d: {  	s2 =	sadd.s32 s2, s15  }
0x8e: {  	[smem:$0x3FBE] =	sst s2  }
0x8f: {  	_ = 	snop  }
0x90: {  	s2 =	sld [smem:$0x3FD0];
	_ =	sdelay $0x2  }
0x91: {  	s4 =	simm.s32 $0xA;
	s5 =	simm.s32 $0x10;
	s16 =	sld [smem:$0x3FC4]  }
0x92: {  	[smem:s5], [sflag:s4] =	dma.local [hbm:s2], $0x1  }
0x93: {  	_ =	swait.eq [sflag:s4], $0x1  }
0x94: {  	[sflag:s4] =	ssyncset.done $0x0  }
0x95: {  	s17 =	sld [smem:$0x10];
	[sflag:s4] =	ssyncadd.s32 $0xFFFFFFFF  }
0x96: {  	s18 =	sld [smem:$0x12];
	(tm) =	ssettm $0x1  }
0x97: {  	s19 =	sld [smem:$0x3FFB];
	_ =	sdelay $0x3  }
0x98: {  	_ =	strace s19  }
0x99: {  	s5 =	sld [smem:$0x3FFC];
	_ =	sdelay $0x3  }
0x9a: {  	_ =	strace s5  }
0x9b: {  	s5 =	sld [smem:$0x3FFD];
	_ =	sdelay $0x3  }
0x9c: {  	_ =	strace s5  }
0x9d: {  	_ =	strace $0x8FFFFFFF  }
0x9e: {  	s20 =	sld [smem:$0x3FDB];
	_ =	sdelay $0x1  }
0x9f: {  	s6 =	simm.s32 $_scs_section_size  }
0xa0: {  	s7 =	simm.s32 $_size__tile_overlayer_lowered;
	s8 =	simm.s32 $_tile_overlayer_lowered  }
0xa1: {  	s23 =	simm.s32 $0x1BFF;
	s22 =	sshll.u32 s8, $0x1;
	s5 =	sadd.s32 s6, s20  }
0xa2: {  	s9 =	simm.s32 $0x0;
	s21 =	sshll.u32 s7, $0x1;
	s7 =	sadd.s32 s22, s5  }
0xa3: {  	[timem:s9], [sflag:s23] =	dma.local [hbm:s7], s21  }
0xa4: {  	_ =	swait.ge [sflag:s23], s21  }
0xa5: {  	s6 =	ssub.s32 $0x0, s21;
	[sflag:s23] =	ssyncset.done $0x0  }
0xa6: {  	[sflag:s23] =	ssyncadd.s32 s6;
	_ =	sdelay $0x1  }
0xa7: {  	s24 =	simm.s32 $0x1B8B  }
0xa8: {  	_ =	swait.ge [sflag:s24], $0x1  }
0xa9: {  	[sflag:s24] =	ssyncset.done $0x0  }
0xaa: {  	s25 =	simm.s32 $0x1B8E;
	[sflag:s24] =	ssyncadd.s32 $0xFFFFFFFF  }
0xab: {  	s26 =	simm.s32 $execute0_lowered;
	[smem:$0x3FD2] =	sst s25  }
0xac: {  	s6 =	sshll.u32 s26, $0x1;
	_ =	strace $0x80000046;
	[dreg:$0x1] =	wrdreg $0xFFFFFFFF  }
0xad: {  	s28 =	simm.s32 $_size_execute0_lowered;
	s5 =	sadd.s32 s5, s6;
	[dreg:$0x0] =	wrdreg $0x0  }
0xae: {  	s6 =	sshll.u32 s28, $0x1;
	[dreg:$0x2] =	wrdreg s5  }
0xaf: {  	[dreg:$0x3] =	wrdreg s6  }
0xb0: {  	[dreg:$0x4] =	wrdreg $0xC0  }
0xb1: {  	_ =	task [dreg:s9], $0x5FFFF  }
0xb2: {  	[dreg:$0x1] =	wrdreg $0xFFFFFFFF  }
0xb3: {  	[dreg:$0x0] =	wrdreg $0x60  }
0xb4: {  	[dreg:$0x2] =	wrdreg s18  }
0xb5: {  	[dreg:$0x3] =	wrdreg s16  }
0xb6: {  	[dreg:$0x4] =	wrdreg s17  }
0xb7: {  	[dreg:$0x5] =	wrdreg $0x9  }
0xb8: {  	_ =	task.clear_ibuf [dreg:s9], $0x6FFFF;
	_ =	strace $0x90000046  }
0xb9: {  	s29 =	simm.s32 $0x9;
	_ =	strace $0x80000048  }
0xba: {  	_ =	swait.ge [sflag:s29], $0x1  }
0xbb: {  	[sflag:s29] =	ssyncadd.s32 $0xFFFFFFFF  }
0xbc: {  	_ =	strace $0x90000048  }
0xbd: {  	_ =	sfence  }
0xbe: {  	s30 =	sld [smem:$0x0];
	_ =	sdelay $0x2  }
0xbf: {  	s31 =	sshll.u32 s1, $0xD;
	s1 =	sshrl.u32 s1, $0x2  }
0xc0: {  	s3 =	sand.u32 $0x4000, s31;
	s1 =	sadd.s32 s1, s30  }
0xc1: {  	s0 =	sor.u32 s3, s0;
	s1 =	sshll.u32 s1, $0x11  }
0xc2: {  	s0 =	sor.u32 s1, s0  }
0xc3: {  	s0 =	sadd.s32 $0x8F2B, s0  }
0xc4: {  	[sflag:s0] =	ssyncadd.remote.s32 $0x1  }
0xc5: {  	_ =	sfence.sel $0xFFFF  }
0xc6: {  	[dreg:$0x0] =	wrdreg $0xFFFFFFFF;
	(pc) =	sbr.abs _section_cstart, $3  }
0xc7: {  	[dreg:$0x1] =	wrdreg $0xFFFFFFFF  }
0xc8: {  	_ =	task.clear_ibuf [dreg:s9], $0x2FFFF;
	_ =	strace $0x9FFFFFFF  }
0xc9: {  	(tm) =	ssettm $0x7FFFFFFF  }
tec
execute0_lowered:
.L_overlay_start_1:
0x0: {  	(tag) =	ssettag $0x1  }
0x1: {  	s1 =	stileid.u32  }
0x2: {  	p0 =	sgt.u32 s1, $0x3  }
.Ltmp0:
0x3: {  	s4 =	rddreg [dreg:$0x0];
	(pc) =	sbr.rel @p0 .LBB2_4-.Ltmp0, $4  }
0x4: {  	s2 =	rddreg [dreg:$0x1]  }
0x5: {  	s8 =	rddreg [dreg:$0x2];
	s3 =	simm.s32 $0x0  }
0x6: {  	[smem:$0x7FF] =	sst s3  }
0x7: {  	s0 =	rddreg [dreg:$0x3];
	_ =	strace $0x80000047  }
0x8: {  	s5 =	srdreg.scid  }
0x9: {  	s30 =	sshll.u32 s1, $0x1;
	s6 =	sand.u32 $0x1, s5  }
0xa: {  	s9 =	sor.u32 s6, s30  }
0xb: {  	s5 =	sadd.s32 s4, s9;
	s4 =	simm.s32 $0x2  }
0xc: {  	[tilespmem:s3], [sflag:$0x2] =	stream.linear.gather [hbm4b:s5+s3], $0x8, $0x38;
	[tilespmem:$0x880] =	vst v63  }
0xd: {  	_ =	swait.ge [sflag:s4], $0x8  }
0xe: {  	[sflag:s4] =	ssyncset.done $0x0  }
0xf: {  	[sflag:s4] =	ssyncadd.s32 $0xFFFFFFF8  }
0x10: {  	v0 =	vld.msk [tilespmem:$0x0], $0xff;
	_ =	sdelay $0x4  }
0x11: {  	v1 =	vshll.u32 v0, $0x1  }
0x12: {  	v2 =	vlaneseq.u32;
	v3 =	vand.u32 $0x7, v0;
	v1 =	vand.u32 $0xFFFFFFF0, v1  }
0x13: {  	v0 =	vand.u32 $0x7, v2;
	v2 =	vshrl.u32 v2, $0x3;
	v3 =	vor.u32 v3, v1  }
0x14: {  	v1 =	vmul.u32 $0x8, v2;
	v2 =	vperm.xlane v3, v0;
	_ =	sdelay $0x1  }
0x15: {  	v2 =	vadd.s32 v1, v2  }
0x16: {  	s10 =	ssub.s32 $0x2, s6  }
0x17: {  	s11 =	sshrl.u32 s10, $0x1  }
0x18: {  	s10 =	ssub.s32 s10, s11  }
0x19: {  	vm0 =	vmmov $0xffff;
	s7 =	simm.s32 $0x1;
	s6 =	simm.s32 $0x80;
	s31 =	smax.u32 s10, $0x1  }
0x1a: {  	[tilespmem:s6], [sflag:$0x1] =	stream.indirect_vreg.gather [hbm4b:s2+s3], $0x80, v2, vm0, $0xb8;
	[tilespmem:$0x880] =	vst v63  }
0x1b: {  	p0 =	sne.s32 s31, $0x1;
	_ =	swait.ge [sflag:s7], $0x800  }
.Ltmp1:
0x1c: {  	s9 =	sshll.u32 s9, $0x8;
	[sflag:s7] =	ssyncset.done $0x0;
	(pc) =	sbr.rel @!p0 .LBB2_3-.Ltmp1, $4  }
0x1d: {  	s8 =	sadd.s32 s8, s9;
	[sflag:s7] =	ssyncadd.s32 $0xFFFFF800  }
0x1e: {  	[hbm4b:s8+s3] =	stream.linear.scatter [tilespmem:s6], [sflag:$0x2], $0x800, $0x38;
	[tilespmem:$0x880] =	vst v63  }
0x1f: {  	_ =	swait.ge [sflag:s4], $0x800  }
0x20: {  	s9 =	sadd.s32 $0xFFFFFFFF, s31;
	[sflag:s4] =	ssyncset.done $0x0  }
.LBB2_2:
0x21: {  	p0 =	sne.s32 s9, $0x1;
	s9 =	sadd.s32 $0xFFFFFFFF, s9;
	[sflag:s4] =	ssyncadd.s32 $0xFFFFF800  }
0x22: {  	[tilespmem:s3], [sflag:$0x2] =	stream.linear.gather [hbm4b:s5+s3], $0x8, $0x38;
	[tilespmem:$0x880] =	vst v63  }
0x23: {  	_ =	swait.ge [sflag:s4], $0x8  }
0x24: {  	[sflag:s4] =	ssyncset.done $0x0  }
0x25: {  	[sflag:s4] =	ssyncadd.s32 $0xFFFFFFF8  }
0x26: {  	v2 =	vld.msk [tilespmem:$0x0], $0xff;
	_ =	sdelay $0x4  }
0x27: {  	v3 =	vshll.u32 v2, $0x1  }
0x28: {  	v2 =	vand.u32 $0x7, v2;
	v3 =	vand.u32 $0xFFFFFFF0, v3  }
0x29: {  	v2 =	vor.u32 v2, v3  }
0x2a: {  	v2 =	vperm.xlane v2, v0;
	_ =	sdelay $0x1  }
0x2b: {  	v2 =	vadd.s32 v1, v2;
	_ =	sdelay $0x4  }
0x2c: {  	[tilespmem:s6], [sflag:$0x1] =	stream.indirect_vreg.gather [hbm4b:s2+s3], $0x80, v2, vm0, $0xb8;
	[tilespmem:$0x880] =	vst v63  }
0x2d: {  	_ =	swait.ge [sflag:s7], $0x800  }
.Ltmp2:
0x2e: {  	[sflag:s7] =	ssyncset.done $0x0;
	(pc) =	sbr.rel @p0 .LBB2_2-.Ltmp2, $4  }
0x2f: {  	[sflag:s7] =	ssyncadd.s32 $0xFFFFF800  }
0x30: {  	[hbm4b:s8+s3] =	stream.linear.scatter [tilespmem:s6], [sflag:$0x2], $0x800, $0x38;
	[tilespmem:$0x880] =	vst v63  }
0x31: {  	_ =	swait.ge [sflag:s4], $0x800  }
0x32: {  	[sflag:s4] =	ssyncset.done $0x0  }
.LBB2_3:
0x33: {  	[sflag:s4] =	ssyncadd.s32 $0xFFFFF800  }
.LBB2_4:
0x34: {  	_ =	sfence.sel $0x180000  }
0x35: {  	[bflag:$0x0] =	sbarrier.arrive $0xFFFF  }
0x36: {  	p0 =	sne.s32 s1, $0x0;
	_ =	strace $0x90000047  }
0x37: {  	s0 =	sadd.s32 @!p0 $0x100000, s0;
	[bflag:$0x2] =	sbarrier.arrive $0xFFFF  }
0x38: {  	[sflag:s0] =	ssyncadd.tile.s32 @!p0 $0x1;
	_ =	shalt  }
.Lfunc_end2:
_tile_overlayer_lowered:
.L_overlay_start_2:
0x39: {  	(tag) =	ssettag $0x2  }
0x3a: {  	s0 =	rddreg [dreg:$0x0];
	s2 =	stileid.u32  }
0x3b: {  	s1 =	rddreg [dreg:$0x1];
	p0 =	sne.s32 s2, $0x0  }
0x3c: {  	s3 =	rddreg [dreg:$0x2];
	[bflag:$0x3] =	sbarrier.arrive $0xFFFF;
	s2 =	simm.s32 @!p0 $0x1C02  }
0x3d: {  	[timem:s3], [sflag:s2] =	dma.local @!p0 [hbm:s0], s1  }
0x3e: {  	s0 =	simm.s32 @!p0 $0x2  }
0x3f: {  	_ =	swait.ge @!p0 [sflag:s0], s1  }
0x40: {  	s1 =	ssub.s32 @!p0 $0x0, s1;
	[sflag:s0] =	ssyncset.done @!p0 $0x0  }
0x41: {  	[sflag:s0] =	ssyncadd.s32 @!p0 s1  }
0x42: {  	[bflag:$0x3] =	sbarrier.arrive $0xFFFF  }
0x43: {  	_ =	shalt  }

</sc_bundles>
